<compile_context>
chip_gen: v7x
topology: tpu7x:2x2x1
jax: 0.10.2.dev20260603
libtpu: 0.0.44.dev20260713+nightly
codegen_flags: <defaults>
</compile_context>

<pallas_src>
import functools

import jax
import jax.numpy as jnp
from jax import lax
from jax.experimental import pallas as pl
from jax.experimental.pallas import tpu as pltpu
from jax.experimental.pallas import tpu_sc as plsc

_ROWS = 4096
_COLS = 26
_BUCKETS = 1000
_NC, _NS, _L = 2, 16, 16
_NW = _NC * _NS
_RPW = _ROWS // _NW
_PER_W = _RPW * _COLS

_mesh = plsc.VectorSubcoreMesh(core_axis_name="c", subcore_axis_name="s")


@functools.partial(
    pl.kernel,
    mesh=_mesh,
    out_type=jax.ShapeDtypeStruct((_ROWS, _COLS), jnp.float32),
    scratch_types=[
        pltpu.VMEM((_RPW, _COLS), jnp.float32),
        pltpu.VMEM((_BUCKETS,), jnp.float32),
        pltpu.VMEM((_L,), jnp.float32),
        pltpu.VMEM((_RPW, _COLS), jnp.float32),
        pltpu.SemaphoreType.DMA,
    ],
    compiler_params=pltpu.CompilerParams(
        needs_layout_passes=False, use_tc_tiling_on_sc=False
    ),
)
def _lookup(states_hbm, w_hbm, b_hbm, out_hbm, x_v, tab_v, b_v, o_v, sem):
    wid = lax.axis_index("s") * _NC + lax.axis_index("c")
    base = wid * _RPW
    c1 = pltpu.make_async_copy(
        states_hbm.at[pl.ds(base, _RPW)], x_v, sem
    )
    c2 = pltpu.make_async_copy(w_hbm.at[0], tab_v, sem)
    c3 = pltpu.make_async_copy(b_hbm, b_v, sem)
    c1.start()
    c2.start()
    c3.start()
    c1.wait()
    c2.wait()
    c3.wait()
    bias = b_v[...]

    @plsc.parallel_loop(0, _RPW, step=1, unroll=8)
    def _(r):
        xa = x_v[r, pl.ds(0, _L)]
        xb = x_v[r, pl.ds(_COLS - _L, _L)]
        ia = (xa * float(_BUCKETS - 1)).astype(jnp.int32)
        ib = (xb * float(_BUCKETS - 1)).astype(jnp.int32)
        o_v[r, pl.ds(0, _L)] = plsc.load_gather(tab_v, [ia]) + bias
        o_v[r, pl.ds(_COLS - _L, _L)] = plsc.load_gather(tab_v, [ib]) + bias

    pltpu.sync_copy(o_v, out_hbm.at[pl.ds(base, _RPW)])


def kernel(states, W, b):
    bias = jnp.broadcast_to(b.reshape(1), (_L,))
    return _lookup(states, W, bias)

# --- scband reference (transcript-rebuilt; emitter-appended) ---
"""Pipeline reference for scband-one-hot-v-85177791414902 (READ-ONLY COPY).

The authoritative reference and input builder live on the scoring server;
editing this copy changes nothing except your own understanding.
"""

import jax, jax.numpy as jnp
import numpy as np

STATE_FEATURES = 26
BUCKETS = 1000

def setup_inputs(seed: int = 0) -> dict:
    key = jax.random.key(seed)
    k1, k2, k3 = jax.random.split(key, 3)
    states = jax.random.uniform(k1, (4096, STATE_FEATURES), dtype=jnp.float32)
    # nn.Linear(buckets, 1): weight [1, buckets], bias [1]
    bound = 1.0 / np.sqrt(BUCKETS)
    W = jax.random.uniform(k2, (1, BUCKETS), dtype=jnp.float32, minval=-bound, maxval=bound)
    b = jax.random.uniform(k3, (1,), dtype=jnp.float32, minval=-bound, maxval=bound)
    return {"states": states, "W": W, "b": b}

def reference(states, W, b):
    x = states.reshape(-1, STATE_FEATURES)
    idx = jnp.floor(x * (BUCKETS - 1)).astype(jnp.int32)
    oh = jax.nn.one_hot(idx, BUCKETS, dtype=jnp.float32)  # [B, F, buckets]
    value = jnp.dot(oh, W.T) + b  # [B, F, 1]
    return jnp.squeeze(value, axis=-1)  # [B, F]

if __name__ == "__main__":
    import jax
    _d = setup_inputs()
    print(jax.jit(kernel)(*tuple(_d.values())))

</pallas_src>

<mosaic_0001>
#map = affine_map<(d0, d1) -> (0, 0)>
#map1 = affine_map<(d0, d1) -> (0)>
module attributes {stable_mosaic.version = 14 : i64} {
  func.func @_lookup(%arg0: i32, %arg1: i32, %arg2: memref<4096x26xf32, #tpu.memory_space<hbm>>, %arg3: memref<1x1000xf32, #tpu.memory_space<hbm>>, %arg4: memref<16xf32, #tpu.memory_space<hbm>>, %arg5: memref<4096x26xf32, #tpu.memory_space<hbm>>, %arg6: memref<128x26xf32, #tpu.memory_space<vmem>>, %arg7: memref<1000xf32, #tpu.memory_space<vmem>>, %arg8: memref<16xf32, #tpu.memory_space<vmem>>, %arg9: memref<128x26xf32, #tpu.memory_space<vmem>>, %arg10: memref<!tpu.dma_semaphore, #tpu.memory_space<semaphore_mem>>) attributes {dimension_semantics = [#tpu.dimension_semantics<core_parallel>, #tpu.dimension_semantics<subcore_parallel>], iteration_bounds = array<i64: 2, 16>, scalar_prefetch = 0 : i64, scratch_operands = 5 : i64, tpu.core_type = #tpu.core_type<sc_vector_subcore>, window_params = [{transform_indices = #map}, {transform_indices = #map}, {transform_indices = #map1}, {transform_indices = #map}]} {
    %mul3A = arith.constant 2 : i32
    %mul3A_0 = arith.muli %arg1, %mul3A : i32
    %add3A = arith.addi %mul3A_0, %arg0 : i32
    %mul3A_1 = arith.constant 128 : i32
    %mul3A_2 = arith.muli %add3A, %mul3A_1 : i32
    %dma_start3A = arith.constant 0 : i32
    %dma_start3A_3 = tpu.memref_slice %arg2[%mul3A_2, %dma_start3A] : memref<4096x26xf32, #tpu.memory_space<hbm>> -> memref<128x26xf32, #tpu.memory_space<hbm>>
    %dma_start3A_4 = arith.constant 0 : i32
    %dma_start3A_5 = tpu.memref_slice %arg2[%mul3A_2, %dma_start3A_4] : memref<4096x26xf32, #tpu.memory_space<hbm>> -> memref<128x26xf32, #tpu.memory_space<hbm>>
    tpu.enqueue_dma source(%dma_start3A_5 : memref<128x26xf32, #tpu.memory_space<hbm>>) target(%arg6 : memref<128x26xf32, #tpu.memory_space<vmem>>) target_semaphore(%arg10 : memref<!tpu.dma_semaphore, #tpu.memory_space<semaphore_mem>>)
    %dma_start3A_6 = arith.constant 0 : i32
    %dma_start3A_7 = arith.constant 0 : i32
    %dma_start3A_8 = tpu.memref_slice %arg3[%dma_start3A_6, %dma_start3A_7] : memref<1x1000xf32, #tpu.memory_space<hbm>> -> memref<1x1000xf32, #tpu.memory_space<hbm>>
    %dma_start3A_9 = tpu.memref_squeeze %dma_start3A_8 : memref<1x1000xf32, #tpu.memory_space<hbm>> -> memref<1000xf32, #tpu.memory_space<hbm>>
    %dma_start3A_10 = arith.constant 0 : i32
    %dma_start3A_11 = tpu.memref_slice %arg3[%dma_start3A_6, %dma_start3A_10] : memref<1x1000xf32, #tpu.memory_space<hbm>> -> memref<1x1000xf32, #tpu.memory_space<hbm>>
    %dma_start3A_12 = tpu.memref_squeeze %dma_start3A_11 : memref<1x1000xf32, #tpu.memory_space<hbm>> -> memref<1000xf32, #tpu.memory_space<hbm>>
    tpu.enqueue_dma source(%dma_start3A_12 : memref<1000xf32, #tpu.memory_space<hbm>>) target(%arg7 : memref<1000xf32, #tpu.memory_space<vmem>>) target_semaphore(%arg10 : memref<!tpu.dma_semaphore, #tpu.memory_space<semaphore_mem>>)
    tpu.enqueue_dma source(%arg4 : memref<16xf32, #tpu.memory_space<hbm>>) target(%arg8 : memref<16xf32, #tpu.memory_space<vmem>>) target_semaphore(%arg10 : memref<!tpu.dma_semaphore, #tpu.memory_space<semaphore_mem>>)
    %dma_wait3A = arith.constant 0 : i32
    %dma_wait3A_13 = tpu.memref_slice %arg2[%mul3A_2, %dma_wait3A] : memref<4096x26xf32, #tpu.memory_space<hbm>> -> memref<128x26xf32, #tpu.memory_space<hbm>>
    %dma_wait3A_14 = arith.constant 0 : i32
    %dma_wait3A_15 = tpu.memref_slice %arg2[%mul3A_2, %dma_wait3A_14] : memref<4096x26xf32, #tpu.memory_space<hbm>> -> memref<128x26xf32, #tpu.memory_space<hbm>>
    tpu.wait_dma2 semaphore(%arg10 : memref<!tpu.dma_semaphore, #tpu.memory_space<semaphore_mem>>) src(%dma_wait3A_15 : memref<128x26xf32, #tpu.memory_space<hbm>>) dst(%arg6 : memref<128x26xf32, #tpu.memory_space<vmem>>)
    %dma_wait3A_16 = arith.constant 0 : i32
    %dma_wait3A_17 = arith.constant 0 : i32
    %dma_wait3A_18 = tpu.memref_slice %arg3[%dma_wait3A_16, %dma_wait3A_17] : memref<1x1000xf32, #tpu.memory_space<hbm>> -> memref<1x1000xf32, #tpu.memory_space<hbm>>
    %dma_wait3A_19 = tpu.memref_squeeze %dma_wait3A_18 : memref<1x1000xf32, #tpu.memory_space<hbm>> -> memref<1000xf32, #tpu.memory_space<hbm>>
    %dma_wait3A_20 = arith.constant 0 : i32
    %dma_wait3A_21 = tpu.memref_slice %arg3[%dma_wait3A_16, %dma_wait3A_20] : memref<1x1000xf32, #tpu.memory_space<hbm>> -> memref<1x1000xf32, #tpu.memory_space<hbm>>
    %dma_wait3A_22 = tpu.memref_squeeze %dma_wait3A_21 : memref<1x1000xf32, #tpu.memory_space<hbm>> -> memref<1000xf32, #tpu.memory_space<hbm>>
    tpu.wait_dma2 semaphore(%arg10 : memref<!tpu.dma_semaphore, #tpu.memory_space<semaphore_mem>>) src(%dma_wait3A_22 : memref<1000xf32, #tpu.memory_space<hbm>>) dst(%arg7 : memref<1000xf32, #tpu.memory_space<vmem>>)
    tpu.wait_dma2 semaphore(%arg10 : memref<!tpu.dma_semaphore, #tpu.memory_space<semaphore_mem>>) src(%arg4 : memref<16xf32, #tpu.memory_space<hbm>>) dst(%arg8 : memref<16xf32, #tpu.memory_space<vmem>>)
    %get3A = arith.constant 0 : index
    %get3A_23 = tpu.vector_load %arg8[%get3A] {strides = array<i32>} : memref<16xf32, #tpu.memory_space<vmem>>, vector<16xf32>,
    %parallel_loop3A = arith.constant 0 : i32
    %parallel_loop3A_24 = arith.constant 128 : i32
    %parallel_loop3A_25 = arith.constant 1 : i32
    scf.for %parallel_loop3A_26 = %parallel_loop3A to %parallel_loop3A_24 step %parallel_loop3A_25  : i32 {
      %parallel_loop3A_27 = arith.index_cast %parallel_loop3A_26 : i32 to index
      %parallel_loop3A_28 = arith.constant 0 : index
      %parallel_loop3A_29 = tpu.vector_load %arg6[%parallel_loop3A_27, %parallel_loop3A_28] {strides = array<i32>} : memref<128x26xf32, #tpu.memory_space<vmem>>, vector<16xf32>,
      %parallel_loop3A_30 = arith.index_cast %parallel_loop3A_26 : i32 to index
      %parallel_loop3A_31 = arith.constant 10 : index
      %parallel_loop3A_32 = tpu.vector_load %arg6[%parallel_loop3A_30, %parallel_loop3A_31] {strides = array<i32>} : memref<128x26xf32, #tpu.memory_space<vmem>>, vector<16xf32>,
      %parallel_loop3A_33 = arith.constant 9.990000e+02 : f32
      %parallel_loop3A_34 = vector.broadcast %parallel_loop3A_33 : f32 to vector<16xf32>
      %parallel_loop3A_35 = arith.mulf %parallel_loop3A_29, %parallel_loop3A_34 : vector<16xf32>
      %parallel_loop3A_36 = arith.fptosi %parallel_loop3A_35 : vector<16xf32> to vector<16xi32>
      %parallel_loop3A_37 = arith.constant 9.990000e+02 : f32
      %parallel_loop3A_38 = vector.broadcast %parallel_loop3A_37 : f32 to vector<16xf32>
      %parallel_loop3A_39 = arith.mulf %parallel_loop3A_32, %parallel_loop3A_38 : vector<16xf32>
      %parallel_loop3A_40 = arith.fptosi %parallel_loop3A_39 : vector<16xf32> to vector<16xi32>
      %parallel_loop3A_41 = tpu.vector_load_idx %arg7[%parallel_loop3A_36] : memref<1000xf32, #tpu.memory_space<vmem>>[vector<16xi32>], vector<16xf32>,
      %parallel_loop3A_42 = arith.addf %parallel_loop3A_41, %get3A_23 : vector<16xf32>
      %parallel_loop3A_43 = arith.index_cast %parallel_loop3A_26 : i32 to index
      %parallel_loop3A_44 = arith.constant 0 : index
      %parallel_loop3A_45 = tpu.vector_load %arg9[%parallel_loop3A_43, %parallel_loop3A_44] {strides = array<i32>} : memref<128x26xf32, #tpu.memory_space<vmem>>, vector<16xf32>,
      tpu.vector_store %arg9[%parallel_loop3A_43, %parallel_loop3A_44], %parallel_loop3A_42 {strides = array<i32>} : memref<128x26xf32, #tpu.memory_space<vmem>>, vector<16xf32>,
      %parallel_loop3A_46 = tpu.vector_load_idx %arg7[%parallel_loop3A_40] : memref<1000xf32, #tpu.memory_space<vmem>>[vector<16xi32>], vector<16xf32>,
      %parallel_loop3A_47 = arith.addf %parallel_loop3A_46, %get3A_23 : vector<16xf32>
      %parallel_loop3A_48 = arith.index_cast %parallel_loop3A_26 : i32 to index
      %parallel_loop3A_49 = arith.constant 10 : index
      %parallel_loop3A_50 = tpu.vector_load %arg9[%parallel_loop3A_48, %parallel_loop3A_49] {strides = array<i32>} : memref<128x26xf32, #tpu.memory_space<vmem>>, vector<16xf32>,
      tpu.vector_store %arg9[%parallel_loop3A_48, %parallel_loop3A_49], %parallel_loop3A_47 {strides = array<i32>} : memref<128x26xf32, #tpu.memory_space<vmem>>, vector<16xf32>,
    } {sc.loop_unroll_factor = 8 : i64, sc.parallel_access}
    "tpu.region"() ({
      %run_scoped3A = tpu.sem_alloc : memref<!tpu.dma_semaphore, #tpu.memory_space<semaphore_mem>>
      %dma_start3A_26 = arith.constant 0 : i32
      %dma_start3A_27 = tpu.memref_slice %arg5[%mul3A_2, %dma_start3A_26] : memref<4096x26xf32, #tpu.memory_space<hbm>> -> memref<128x26xf32, #tpu.memory_space<hbm>>
      %dma_start3A_28 = arith.constant 0 : i32
      %dma_start3A_29 = tpu.memref_slice %arg5[%mul3A_2, %dma_start3A_28] : memref<4096x26xf32, #tpu.memory_space<hbm>> -> memref<128x26xf32, #tpu.memory_space<hbm>>
      tpu.enqueue_dma source(%arg9 : memref<128x26xf32, #tpu.memory_space<vmem>>) target(%dma_start3A_29 : memref<128x26xf32, #tpu.memory_space<hbm>>) target_semaphore(%run_scoped3A : memref<!tpu.dma_semaphore, #tpu.memory_space<semaphore_mem>>)
      %dma_wait3A_30 = arith.constant 0 : i32
      %dma_wait3A_31 = tpu.memref_slice %arg5[%mul3A_2, %dma_wait3A_30] : memref<4096x26xf32, #tpu.memory_space<hbm>> -> memref<128x26xf32, #tpu.memory_space<hbm>>
      %dma_wait3A_32 = arith.constant 0 : i32
      %dma_wait3A_33 = tpu.memref_slice %arg5[%mul3A_2, %dma_wait3A_32] : memref<4096x26xf32, #tpu.memory_space<hbm>> -> memref<128x26xf32, #tpu.memory_space<hbm>>
      tpu.wait_dma2 semaphore(%run_scoped3A : memref<!tpu.dma_semaphore, #tpu.memory_space<semaphore_mem>>) src(%arg9 : memref<128x26xf32, #tpu.memory_space<vmem>>) dst(%dma_wait3A_33 : memref<128x26xf32, #tpu.memory_space<hbm>>)
      tpu.yield
    }) : () -> ()
    return
  }
}

</mosaic_0001>

<sc_bundles>
// kernel: kernel.3.cloned.1.call-start
scs
__scs_entry_jumppad:
0x0: {  	(pc) =	sbr.rel $0x88, $3  }
0x1: {  	(tag) =	ssettag $0x0;
	lr =	simm.s32 $0x1  }
0x2: {  	[smem:$0x3F9E] =	sst lr;
	_ =	strace $0xD0000000  }
0x3: {  	_ = 	snop  }
0x4: {  	_ = 	snop  }
0x5: {  	_ = 	snop  }
0x6: {  	_ = 	snop  }
0x7: {  	_ = 	snop  }
__scs_overlays_trampoline_lowered:
0x8: {  	[smem:$0x3FAD] =	sst s0  }
0x9: {  	[smem:$0x3FAE] =	sst s1  }
0xa: {  	[smem:$0x3FAF] =	sst s2  }
0xb: {  	[smem:$0x3FB0] =	sst s3  }
0xc: {  	[smem:$0x3FB1] =	sst s4  }
0xd: {  	[smem:$0x3FB2] =	sst s5  }
0xe: {  	[smem:$0x3FB3] =	sst s6  }
0xf: {  	[smem:$0x3FB4] =	sst s7  }
0x10: {  	[smem:$0x3FB5] =	sst s8  }
0x11: {  	[smem:$0x3FB6] =	sst s9;
	s0 =	simm.s32 @!p0 $0x0  }
0x12: {  	s1 =	sld [smem:$0x3F9C];
	s0 =	simm.s32 @p0 $0x1  }
0x13: {  	[smem:$0x3FB7] =	sst s0;
	s0 =	simm.s32 @!p1 $0x0  }
0x14: {  	s2 =	sld [smem:$0x3F9B];
	s0 =	simm.s32 @p1 $0x1  }
0x15: {  	[smem:$0x3FB8] =	sst s0;
	s0 =	simm.s32 @!p2 $0x0  }
0x16: {  	s3 =	sld [smem:$0x3FDB];
	s0 =	simm.s32 @p2 $0x1  }
0x17: {  	s4 =	simm.s32 $0x1BF5;
	[smem:$0x3FBA] =	sst s0  }
0x18: {  	s0 =	sld [smem:$0x3F9D];
	_ =	swait.ge [sflag:s4], $0x0  }
0x19: {  	s7 =	sld [smem:$0x3F9E]  }
0x1a: {  	s8 =	sadd.s32 $0xFFFFE003, lr  }
0x1b: {  	s9 =	sadd.s32 $0xFFFFFEF7, lr;
	s5 =	simm.s32 $0xFFFFFFFF;
	p2 =	slt.u32 s8, $0xFFFFF086  }
0x1c: {  	p1 =	slt.u32 s9, $0xF7A;
	s5 =	simm.s32 @!p2 $0x0  }
0x1d: {  	s5 =	simm.s32 @p1 $0x1;
	p0 =	seq.s32 s7, s2  }
0x1e: {  	s7 =	smul.u32 @!p0 $0xF7A, s2;
	p2 =	seq.s32 @!p0 s5, $0x0  }
0x1f: {  	s9 =	smul.u32 $0xF7A, s1;
	s8 =	simm.s32 @!p0 $0x1BF5;
	p2 =	por !p2, p0  }
0x20: {  	[sflag:s8] =	ssyncset.s32 @!p0 $0xFFFFF086;
	s6 =	sadd.s32 @!p0 s3, s7;
	s7 =	simm.s32 @!p0 $0x108  }
0x21: {  	s3 =	sadd.s32 s3, s9;
	s6 =	sadd.s32 @!p0 $0x88, s6;
	s7 =	simm.s32 @p2 $0x1082  }
0x22: {  	[simem:s7], [sflag:s8] =	dma.local @!p0 [hbm:s6], $0xF7A  }
0x23: {  	s9 =	sor.u32 $0xD0000000, s2;
	s6 =	simm.s32 $0x108;
	_ =	swait.ge @!p0 [sflag:s8], $0x0  }
0x24: {  	s3 =	sadd.s32 $0x88, s3;
	s6 =	simm.s32 @!p1 $0x1082;
	[sflag:s4] =	ssyncset.s32 $0xFFFFF086  }
0x25: {  	[simem:s6], [sflag:s4] =	dma.local [hbm:s3], $0xF7A  }
0x26: {  	[smem:$0x3F9E] =	sst s1;
	(tag) =	ssettag s2;
	_ =	strace s9  }
0x27: {  	s1 =	sld [smem:$0x3FAE]  }
0x28: {  	s2 =	sld [smem:$0x3FAF]  }
0x29: {  	s4 =	sld [smem:$0x3FB1]  }
0x2a: {  	p0 =	seq.s32 s5, $0x0;
	s5 =	sld [smem:$0x3FB2]  }
0x2b: {  	s6 =	sld [smem:$0x3FB3]  }
0x2c: {  	s7 =	sld [smem:$0x3FB4]  }
0x2d: {  	s3 =	simm.s32 $0x108;
	s8 =	sld [smem:$0x3FB5]  }
0x2e: {  	s3 =	simm.s32 @!p0 $0x1082;
	s9 =	sld [smem:$0x3FB6]  }
0x2f: {  	lr =	sadd.s32 s0, s3;
	s0 =	sld [smem:$0x3FAD]  }
0x30: {  	s3 =	sld [smem:$0x3FB0]  }
0x31: {  	[smem:$0x3FB9] =	sst s10  }
0x32: {  	s10 =	sld [smem:$0x3FB7];
	_ =	sdelay $0x3  }
0x33: {  	p0 =	seq.s32 s10, $0x1;
	s10 =	sld [smem:$0x3FB9];
	_ =	sdelay $0x3  }
0x34: {  	[smem:$0x3FB9] =	sst s10  }
0x35: {  	s10 =	sld [smem:$0x3FB8];
	_ =	sdelay $0x3  }
0x36: {  	p1 =	seq.s32 s10, $0x1;
	s10 =	sld [smem:$0x3FB9];
	_ =	sdelay $0x3  }
0x37: {  	[smem:$0x3FB9] =	sst s10  }
0x38: {  	s10 =	sld [smem:$0x3FBA]  }
0x39: {  	_ = 	snop;
	(pc) =	sbr.ind lr, $3  }
0x3a: {  	_ = 	snop  }
0x3b: {  	_ = 	snop  }
0x3c: {  	p2 =	seq.s32 s10, $0x1;
	s10 =	sld [smem:$0x3FB9]  }
0x3d: {  	_ =	shalt  }
0x3e: {  	_ =	shalt  }
0x3f: {  	_ =	shalt  }
0x40: {  	_ =	shalt  }
0x41: {  	_ =	shalt  }
0x42: {  	_ =	shalt  }
0x43: {  	_ =	shalt  }
0x44: {  	_ =	shalt  }
0x45: {  	_ =	shalt  }
0x46: {  	_ =	shalt  }
0x47: {  	_ =	shalt  }
0x48: {  	_ =	shalt  }
0x49: {  	_ =	shalt  }
0x4a: {  	_ =	shalt  }
0x4b: {  	_ =	shalt  }
0x4c: {  	_ =	shalt  }
0x4d: {  	_ =	shalt  }
0x4e: {  	_ =	shalt  }
0x4f: {  	_ =	shalt  }
0x50: {  	_ =	shalt  }
0x51: {  	_ =	shalt  }
0x52: {  	_ =	shalt  }
0x53: {  	_ =	shalt  }
0x54: {  	_ =	shalt  }
0x55: {  	_ =	shalt  }
0x56: {  	_ =	shalt  }
0x57: {  	_ =	shalt  }
0x58: {  	_ =	shalt  }
0x59: {  	_ =	shalt  }
0x5a: {  	_ =	shalt  }
0x5b: {  	_ =	shalt  }
0x5c: {  	_ =	shalt  }
0x5d: {  	_ =	shalt  }
0x5e: {  	_ =	shalt  }
0x5f: {  	_ =	shalt  }
0x60: {  	_ =	shalt  }
0x61: {  	_ =	shalt  }
0x62: {  	_ =	shalt  }
0x63: {  	_ =	shalt  }
0x64: {  	_ =	shalt  }
0x65: {  	_ =	shalt  }
0x66: {  	_ =	shalt  }
0x67: {  	_ =	shalt  }
0x68: {  	_ =	shalt  }
0x69: {  	_ =	shalt  }
0x6a: {  	_ =	shalt  }
0x6b: {  	_ =	shalt  }
0x6c: {  	_ =	shalt  }
0x6d: {  	_ =	shalt  }
0x6e: {  	_ =	shalt  }
0x6f: {  	_ =	shalt  }
0x70: {  	_ =	shalt  }
0x71: {  	_ =	shalt  }
0x72: {  	_ =	shalt  }
0x73: {  	_ =	shalt  }
0x74: {  	_ =	shalt  }
0x75: {  	_ =	shalt  }
0x76: {  	_ =	shalt  }
0x77: {  	_ =	shalt  }
0x78: {  	_ =	shalt  }
0x79: {  	_ =	shalt  }
0x7a: {  	_ =	shalt  }
0x7b: {  	_ =	shalt  }
0x7c: {  	_ =	shalt  }
0x7d: {  	_ =	shalt  }
0x7e: {  	_ =	shalt  }
0x7f: {  	_ =	shalt  }
0x80: {  	_ =	shalt  }
0x81: {  	_ =	shalt  }
0x82: {  	_ =	shalt  }
0x83: {  	_ =	shalt  }
0x84: {  	_ =	shalt  }
0x85: {  	_ =	shalt  }
0x86: {  	_ =	shalt  }
0x87: {  	_ =	shalt  }
.Lfunc_end0:
.L_simem_size_0:
called_computation_lowered:
.L_overlay_start_0:
0x88: {  	s2 =	sld [smem:$0x3FD9]  }
0x89: {  	s3 =	sld [smem:$0x3FFE];
	_ =	sdelay $0x1  }
0x8a: {  	s1 =	srdreg.scid  }
0x8b: {  	s0 =	sand.u32 $0x1, s1  }
0x8c: {  	s17 =	sshll.u32 s0, $0xA;
	s2 =	sadd.s32 s3, s2  }
0x8d: {  	s2 =	sadd.s32 s2, s17  }
0x8e: {  	[smem:$0x3FC5] =	sst s2  }
0x8f: {  	_ = 	snop  }
0x90: {  	s2 =	sld [smem:$0x3FC8]  }
0x91: {  	s18 =	sld [smem:$0x3FD0];
	(tm) =	ssettm $0x1  }
0x92: {  	s4 =	sld [smem:$0x3FFB];
	_ =	sdelay $0x3  }
0x93: {  	_ =	strace s4  }
0x94: {  	s4 =	sld [smem:$0x3FFC];
	_ =	sdelay $0x3  }
0x95: {  	_ =	strace s4  }
0x96: {  	s4 =	sld [smem:$0x3FFD];
	_ =	sdelay $0x3  }
0x97: {  	_ =	strace s4  }
0x98: {  	_ =	strace $0x8FFFFFFF  }
0x99: {  	s19 =	sld [smem:$0x3FDB];
	_ =	sdelay $0x1  }
0x9a: {  	s5 =	simm.s32 $_scs_section_size  }
0x9b: {  	s6 =	simm.s32 $_size__tile_overlayer_lowered;
	s7 =	simm.s32 $_tile_overlayer_lowered  }
0x9c: {  	s22 =	simm.s32 $0x1BFF;
	s21 =	sshll.u32 s7, $0x1;
	s4 =	sadd.s32 s5, s19  }
0x9d: {  	s8 =	simm.s32 $0x0;
	s20 =	sshll.u32 s6, $0x1;
	s6 =	sadd.s32 s21, s4  }
0x9e: {  	[timem:s8], [sflag:s22] =	dma.local [hbm:s6], s20  }
0x9f: {  	_ =	swait.ge [sflag:s22], s20  }
0xa0: {  	s5 =	ssub.s32 $0x0, s20;
	[sflag:s22] =	ssyncset.done $0x0  }
0xa1: {  	[sflag:s22] =	ssyncadd.s32 s5;
	_ =	sdelay $0x1  }
0xa2: {  	s23 =	simm.s32 $0x1B8B  }
0xa3: {  	_ =	swait.ge [sflag:s23], $0x1  }
0xa4: {  	[sflag:s23] =	ssyncset.done $0x0  }
0xa5: {  	s25 =	simm.s32 $0x1B8E;
	s24 =	sld [smem:$0x3FFE];
	[sflag:s23] =	ssyncadd.s32 $0xFFFFFFFF  }
0xa6: {  	s26 =	simm.s32 $execute0_lowered;
	[smem:$0x3FD2] =	sst s25  }
0xa7: {  	s6 =	sshll.u32 s26, $0x1;
	_ =	strace $0x80000046;
	[dreg:$0x1] =	wrdreg $0xFFFFFFFF  }
0xa8: {  	s28 =	simm.s32 $_size_execute0_lowered;
	s4 =	sadd.s32 s4, s6;
	[dreg:$0x0] =	wrdreg $0x0  }
0xa9: {  	s6 =	sshll.u32 s28, $0x1;
	[dreg:$0x2] =	wrdreg s4  }
0xaa: {  	[dreg:$0x3] =	wrdreg s6  }
0xab: {  	[dreg:$0x4] =	wrdreg $0xC0  }
0xac: {  	_ =	task [dreg:s8], $0x5FFFF  }
0xad: {  	[dreg:$0x1] =	wrdreg $0xFFFFFFFF  }
0xae: {  	[dreg:$0x0] =	wrdreg $0x60  }
0xaf: {  	[dreg:$0x2] =	wrdreg s18  }
0xb0: {  	[dreg:$0x3] =	wrdreg s2  }
0xb1: {  	[dreg:$0x4] =	wrdreg s24  }
0xb2: {  	[dreg:$0x5] =	wrdreg $0x9  }
0xb3: {  	_ =	task.clear_ibuf [dreg:s8], $0x6FFFF;
	_ =	strace $0x90000046  }
0xb4: {  	s29 =	simm.s32 $0x9;
	_ =	strace $0x80000048  }
0xb5: {  	_ =	swait.ge [sflag:s29], $0x1  }
0xb6: {  	[sflag:s29] =	ssyncadd.s32 $0xFFFFFFFF  }
0xb7: {  	_ =	strace $0x90000048  }
0xb8: {  	_ =	sfence  }
0xb9: {  	s30 =	sld [smem:$0x0];
	_ =	sdelay $0x2  }
0xba: {  	s31 =	sshll.u32 s1, $0xD;
	s1 =	sshrl.u32 s1, $0x2  }
0xbb: {  	s3 =	sand.u32 $0x4000, s31;
	s1 =	sadd.s32 s1, s30  }
0xbc: {  	s0 =	sor.u32 s3, s0;
	s1 =	sshll.u32 s1, $0x11  }
0xbd: {  	s0 =	sor.u32 s1, s0  }
0xbe: {  	s0 =	sadd.s32 $0x8F2B, s0  }
0xbf: {  	[sflag:s0] =	ssyncadd.remote.s32 $0x1  }
0xc0: {  	_ =	sfence.sel $0xFFFF  }
0xc1: {  	[dreg:$0x0] =	wrdreg $0xFFFFFFFF;
	(pc) =	sbr.abs _section_cstart, $3  }
0xc2: {  	[dreg:$0x1] =	wrdreg $0xFFFFFFFF  }
0xc3: {  	_ =	task.clear_ibuf [dreg:s8], $0x2FFFF;
	_ =	strace $0x9FFFFFFF  }
0xc4: {  	(tm) =	ssettm $0x7FFFFFFF  }
0xc5: {  	_ =	shalt  }
tec
execute0_lowered:
.L_overlay_start_1:
0x0: {  	(tag) =	ssettag $0x1  }
0x1: {  	s5 =	rddreg [dreg:$0x0]  }
0x2: {  	s1 =	rddreg [dreg:$0x1]  }
0x3: {  	s6 =	rddreg [dreg:$0x2]  }
0x4: {  	s0 =	rddreg [dreg:$0x3];
	s3 =	simm.s32 $0x0;
	s4 =	srdreg.scid  }
0x5: {  	s2 =	stileid.u32;
	s10 =	simm.s32 $0x1;
	s11 =	simm.s32 $0x13F8  }
0x6: {  	s12 =	simm.s32 $0x2;
	s13 =	simm.s32 $0x0;
	s4 =	sand.u32 $0x1, s4  }
0x7: {  	[smem:$0x7FF] =	sst s3;
	s7 =	sshll.u32 s2, $0xA;
	s8 =	sshll.u32 s4, $0x9  }
0x8: {  	s9 =	ssub.s32 $0x2, s4;
	_ =	strace $0x80000047;
	s7 =	sor.u32 s8, s7  }
0x9: {  	s4 =	sadd.s32 $0x600, s6;
	s31 =	sshrl.u32 s9, $0x1;
	s6 =	sadd.s32 s7, s6  }
0xa: {  	s8 =	ssub.s32 s9, s31;
	s5 =	sadd.s32 s5, s7;
	s9 =	simm.s32 $0x13E8  }
0xb: {  	s6 =	sadd.s32 $0x800, s6;
	s7 =	smax.u32 s8, $0x1;
	s8 =	simm.s32 $0x1000  }
.LBB2_1:
0xc: {  	[tilespmem:s3], [sflag:$0x1] =	stream.linear.gather [hbm4b:s5+s3], $0x1000, $0x38;
	[tilespmem:$0x23F8] =	vst v63  }
0xd: {  	_ = 	snop  }
0xe: {  	[tilespmem:s8], [sflag:$0x1] =	stream.linear.gather [hbm4b:s1+s3], $0x3E8, $0x38;
	[tilespmem:$0x23F8] =	vst v63  }
0xf: {  	_ = 	snop  }
0x10: {  	[tilespmem:s9], [sflag:$0x1] =	stream.linear.gather [hbm4b:s4+s3], $0x10, $0x38;
	[tilespmem:$0x23F8] =	vst v63  }
0x11: {  	_ =	swait.ge [sflag:s10], $0x1000  }
0x12: {  	[sflag:s10] =	ssyncset.done $0x0  }
0x13: {  	[sflag:s10] =	ssyncadd.s32 $0xFFFFF000  }
0x14: {  	_ =	swait.ge [sflag:s10], $0x3E8  }
0x15: {  	[sflag:s10] =	ssyncset.done $0x0  }
0x16: {  	[sflag:s10] =	ssyncadd.s32 $0xFFFFFC18  }
0x17: {  	_ =	swait.ge [sflag:s10], $0x10  }
0x18: {  	[sflag:s10] =	ssyncset.done $0x0  }
0x19: {  	s14 =	simm.s32 $0x80;
	[sflag:s10] =	ssyncadd.s32 $0xFFFFFFF0  }
0x1a: {  	v0 =	vld [tilespmem:s14+$0x60]  }
0x1b: {  	v1 =	vld [tilespmem:s14+$0xFFFFFFA0]  }
0x1c: {  	v2 =	vld [tilespmem:s14+$0xFFFFFFC0]  }
0x1d: {  	v3 =	vld [tilespmem:s14+$0xFFFFFFE0]  }
0x1e: {  	v4 =	vld [tilespmem:s14+$0xFFFFFF80]  }
0x1f: {  	v5 =	vld [tilespmem:s14+$0x0]  }
0x20: {  	v7 =	vld [tilespmem:s14+$0x6A]  }
0x21: {  	v8 =	vld [tilespmem:s14+$0x20]  }
0x22: {  	v9 =	vld [tilespmem:s14+$0x40]  }
0x23: {  	s15 =	simm.s32 $0x180;
	v10 =	vld [tilespmem:s14+$0xFFFFFF8A];
	v0 =	vmul.f32 $9.990000000e+02, v0  }
0x24: {  	v17 =	vld [tilespmem:s15+$0xFFFFFFA0]  }
0x25: {  	v19 =	vld [tilespmem:s15+$0xFFFFFFE0];
	v0 =	vtrunc.f32 v0  }
0x26: {  	v20 =	vld [tilespmem:s15+$0x0];
	v1 =	vmul.f32 $9.990000000e+02, v1;
	v6 =	vcvt.f32.s32 v0  }
0x27: {  	v21 =	vld [tilespmem:s15+$0x20];
	v2 =	vmul.f32 $9.990000000e+02, v2;
	v3 =	vmul.f32 $9.990000000e+02, v3  }
0x28: {  	v22 =	vld [tilespmem:s15+$0x40];
	v4 =	vmul.f32 $9.990000000e+02, v4;
	v5 =	vmul.f32 $9.990000000e+02, v5  }
0x29: {  	v23 =	vld [tilespmem:s15+$0xFFFFFF80];
	v7 =	vmul.f32 $9.990000000e+02, v7;
	v8 =	vmul.f32 $9.990000000e+02, v8  }
0x2a: {  	v28 =	vld [tilespmem:s15+$0xFFFFFFEA];
	v9 =	vmul.f32 $9.990000000e+02, v9;
	v17 =	vmul.f32 $9.990000000e+02, v17  }
0x2b: {  	v19 =	vmul.f32 $9.990000000e+02, v19;
	v20 =	vmul.f32 $9.990000000e+02, v20;
	v0 =	vld [tilespmem:$0x13E8]  }
0x2c: {  	v21 =	vmul.f32 $9.990000000e+02, v21;
	v4 =	vtrunc.f32 v4;
	v6 =	vld.idx.msk [tilespmem:v6+s8+$0x0], $0xffff  }
0x2d: {  	v11 =	vld [tilespmem:s14+$0xFFFFFFAA];
	v7 =	vtrunc.f32 v7;
	v4 =	vcvt.f32.s32 v4  }
0x2e: {  	v12 =	vld [tilespmem:s14+$0xFFFFFFCA];
	v1 =	vtrunc.f32 v1;
	v7 =	vcvt.f32.s32 v7  }
0x2f: {  	v13 =	vld [tilespmem:s14+$0xFFFFFFEA];
	v3 =	vtrunc.f32 v3;
	v1 =	vcvt.f32.s32 v1  }
0x30: {  	v14 =	vld [tilespmem:s14+$0xA];
	v23 =	vmul.f32 $9.990000000e+02, v23;
	v3 =	vcvt.f32.s32 v3  }
0x31: {  	v15 =	vld [tilespmem:s14+$0x2A];
	v22 =	vmul.f32 $9.990000000e+02, v22;
	v59 =	vmul.f32 $9.990000000e+02, v28;
	v6 =	vadd.f32 v6, v0  }
0x32: {  	v16 =	vld [tilespmem:s14+$0x4A];
	s14 =	simm.s32 $0x1478;
	v2 =	vtrunc.f32 v2;
	v5 =	vtrunc.f32 v5  }
0x33: {  	v8 =	vtrunc.f32 v8;
	v5 =	vcvt.f32.s32 v5;
	v4 =	vld.idx.msk [tilespmem:v4+s8+$0x0], $0xffff;
	[tilespmem:s14+$0x60] =	vst v6  }
0x34: {  	v9 =	vtrunc.f32 v9;
	v6 =	vld.idx.msk [tilespmem:v7+s8+$0x0], $0xffff;
	v7 =	vmul.f32 $9.990000000e+02, v10  }
0x35: {  	v1 =	vld.idx.msk [tilespmem:v1+s8+$0x0], $0xffff;
	v10 =	vmul.f32 $9.990000000e+02, v11;
	v11 =	vmul.f32 $9.990000000e+02, v12  }
0x36: {  	v3 =	vld.idx.msk [tilespmem:v3+s8+$0x0], $0xffff;
	v12 =	vmul.f32 $9.990000000e+02, v13;
	v13 =	vmul.f32 $9.990000000e+02, v14  }
0x37: {  	v14 =	vmul.f32 $9.990000000e+02, v15;
	v15 =	vmul.f32 $9.990000000e+02, v16;
	v16 =	vld [tilespmem:s15+$0x60]  }
0x38: {  	v17 =	vtrunc.f32 v17;
	v19 =	vtrunc.f32 v19  }
0x39: {  	v23 =	vtrunc.f32 v23;
	v20 =	vtrunc.f32 v20;
	v5 =	vld.idx.msk [tilespmem:v5+s8+$0x0], $0xffff  }
0x3a: {  	v18 =	vld [tilespmem:s15+$0xFFFFFFC0];
	v2 =	vcvt.f32.s32 v2;
	v8 =	vcvt.f32.s32 v8;
	v1 =	vadd.f32 v1, v0  }
0x3b: {  	v24 =	vld [tilespmem:s15+$0xFFFFFF8A];
	v9 =	vcvt.f32.s32 v9;
	v23 =	vcvt.f32.s32 v23;
	v4 =	vadd.f32 v4, v0  }
0x3c: {  	v56 =	vld [tilespmem:s15+$0x6A];
	v57 =	vcvt.f32.s32 v20;
	[tilespmem:s14+$0xFFFFFFA0] =	vst v1;
	v1 =	vadd.f32 v3, v0;
	v16 =	vmul.f32 $9.990000000e+02, v16  }
0x3d: {  	v26 =	vld [tilespmem:s15+$0xFFFFFFAA];
	[tilespmem:s14+$0xFFFFFF80] =	vst v4;
	v4 =	vcvt.f32.s32 v17;
	v3 =	vtrunc.f32 v21  }
0x3e: {  	v27 =	vld [tilespmem:s15+$0xFFFFFFCA];
	[tilespmem:s14+$0xFFFFFFE0] =	vst v1;
	v1 =	vadd.f32 v5, v0;
	v5 =	vcvt.f32.s32 v19;
	v16 =	vtrunc.f32 v16  }
0x3f: {  	v29 =	vld [tilespmem:s15+$0xA];
	v7 =	vtrunc.f32 v7;
	v16 =	vcvt.f32.s32 v16  }
0x40: {  	v2 =	vld.idx.msk [tilespmem:v2+s8+$0x0], $0xffff;
	v10 =	vtrunc.f32 v10;
	v11 =	vtrunc.f32 v11  }
0x41: {  	v30 =	vld [tilespmem:s15+$0x2A];
	v12 =	vtrunc.f32 v12;
	v13 =	vtrunc.f32 v13  }
0x42: {  	v8 =	vld.idx.msk [tilespmem:v8+s8+$0x0], $0xffff;
	v15 =	vtrunc.f32 v15;
	v7 =	vcvt.f32.s32 v7  }
0x43: {  	v9 =	vld.idx.msk [tilespmem:v9+s8+$0x0], $0xffff;
	v10 =	vcvt.f32.s32 v10;
	v25 =	vcvt.f32.s32 v15  }
0x44: {  	v58 =	vld.idx.msk [tilespmem:v23+s8+$0x0], $0xffff;
	v15 =	vmul.f32 $9.990000000e+02, v18;
	v18 =	vmul.f32 $9.990000000e+02, v56  }
0x45: {  	v2 =	vadd.f32 v2, v0;
	v14 =	vtrunc.f32 v14;
	v11 =	vcvt.f32.s32 v11;
	v16 =	vld.idx.msk [tilespmem:v16+s8+$0x0], $0xffff  }
0x46: {  	v17 =	vld [tilespmem:s15+$0x4A];
	v12 =	vcvt.f32.s32 v12;
	v18 =	vtrunc.f32 v18  }
0x47: {  	[tilespmem:s14+$0xFFFFFFC0] =	vst v2;
	v15 =	vtrunc.f32 v15;
	v2 =	vadd.f32 v6, v0;
	v60 =	vld.idx.msk [tilespmem:v4+s8+$0x0], $0xffff;
	v18 =	vcvt.f32.s32 v18  }
0x48: {  	v9 =	vadd.f32 v9, v0;
	v13 =	vcvt.f32.s32 v13;
	v15 =	vcvt.f32.s32 v15;
	v61 =	vld.idx.msk [tilespmem:v5+s8+$0x0], $0xffff  }
0x49: {  	[tilespmem:s14+$0x6A] =	vst v2;
	v2 =	vcvt.f32.s32 v3;
	v3 =	vmul.f32 $9.990000000e+02, v24;
	v10 =	vld.idx.msk [tilespmem:v10+s8+$0x0], $0xffff  }
0x4a: {  	[tilespmem:s14+$0x40] =	vst v9;
	v6 =	vtrunc.f32 v22;
	v4 =	vmul.f32 $9.990000000e+02, v30;
	v7 =	vld.idx.msk [tilespmem:v7+s8+$0x0], $0xffff;
	v16 =	vadd.f32 v16, v0  }
0x4b: {  	s15 =	simm.s32 $0x1578;
	[tilespmem:s14+$0x0] =	vst v1;
	v1 =	vadd.f32 v8, v0;
	v6 =	vcvt.f32.s32 v6;
	v11 =	vld.idx.msk [tilespmem:v11+s8+$0x0], $0xffff;
	v3 =	vtrunc.f32 v3  }
0x4c: {  	v62 =	vtrunc.f32 v4;
	v12 =	vld.idx.msk [tilespmem:v12+s8+$0x0], $0xffff;
	v4 =	vcvt.f32.s32 v3;
	v3 =	vadd.f32 v58, v0;
	[tilespmem:s15+$0x60] =	vst v16  }
0x4d: {  	v14 =	vcvt.f32.s32 v14;
	v8 =	vmul.f32 $9.990000000e+02, v26;
	[tilespmem:s14+$0x20] =	vst v1;
	v63 =	vadd.f32 v60, v0;
	v18 =	vld.idx.msk [tilespmem:v18+s8+$0x0], $0xffff  }
0x4e: {  	v17 =	vmul.f32 $9.990000000e+02, v17;
	v1 =	vmul.f32 $9.990000000e+02, v29;
	v15 =	vld.idx.msk [tilespmem:v15+s8+$0x0], $0xffff;
	[tilespmem:s15+$0xFFFFFF80] =	vst v3;
	v9 =	vadd.f32 v10, v0  }
0x4f: {  	[tilespmem:s15+$0xFFFFFFA0] =	vst v63;
	v7 =	vadd.f32 v7, v0;
	v10 =	vtrunc.f32 v8;
	v8 =	vld.idx.msk [tilespmem:v57+s8+$0x0], $0xffff;
	v16 =	vmul.f32 $9.990000000e+02, v27  }
0x50: {  	v17 =	vtrunc.f32 v17;
	v5 =	vadd.f32 v11, v0;
	v11 =	vtrunc.f32 v59;
	[tilespmem:s14+$0xFFFFFFAA] =	vst v9;
	v9 =	vld.idx.msk [tilespmem:v2+s8+$0x0], $0xffff  }
0x51: {  	v12 =	vadd.f32 v12, v0;
	[tilespmem:s14+$0xFFFFFF8A] =	vst v7;
	v7 =	vcvt.f32.s32 v10;
	v10 =	vld.idx.msk [tilespmem:v6+s8+$0x0], $0xffff;
	v16 =	vtrunc.f32 v16  }
0x52: {  	[tilespmem:s14+$0xFFFFFFCA] =	vst v5;
	v5 =	vcvt.f32.s32 v11;
	v11 =	vld.idx.msk [tilespmem:v13+s8+$0x0], $0xffff;
	v6 =	vcvt.f32.s32 v16;
	v16 =	vadd.f32 v18, v0  }
0x53: {  	v1 =	vtrunc.f32 v1;
	v3 =	vcvt.f32.s32 v62;
	[tilespmem:s14+$0xFFFFFFEA] =	vst v12;
	v12 =	vld.idx.msk [tilespmem:v14+s8+$0x0], $0xffff;
	v15 =	vadd.f32 v15, v0  }
0x54: {  	s16 =	simm.s32 $0x8;
	s17 =	simm.s32 $0x280;
	v2 =	vcvt.f32.s32 v1;
	v1 =	vcvt.f32.s32 v17;
	v14 =	vadd.f32 v61, v0;
	v13 =	vld.idx.msk [tilespmem:v25+s8+$0x0], $0xffff;
	[tilespmem:s15+$0x6A] =	vst v16  }
.LBB2_2:
0x55: {  	v16 =	vld [tilespmem:s17+$0x60];
	s16 =	sadd.s32 $0x8, s16;
	[tilespmem:s15+$0xFFFFFFC0] =	vst v15;
	v8 =	vadd.f32 v8, v0  }
0x56: {  	v9 =	vadd.f32 v9, v0;
	v15 =	vld [tilespmem:s17+$0xFFFFFFA0];
	p0 =	slt.u32 s16, $0x78;
	[tilespmem:s15+$0xFFFFFFE0] =	vst v14  }
0x57: {  	v14 =	vld [tilespmem:s17+$0xFFFFFFC0];
	[tilespmem:s15+$0x0] =	vst v8;
	v8 =	vadd.f32 v10, v0  }
0x58: {  	v10 =	vld [tilespmem:s17+$0xFFFFFFE0];
	[tilespmem:s15+$0x20] =	vst v9;
	v9 =	vadd.f32 v11, v0  }
0x59: {  	v11 =	vld [tilespmem:s17+$0x0];
	[tilespmem:s15+$0x40] =	vst v8;
	v8 =	vadd.f32 v12, v0  }
0x5a: {  	v12 =	vld [tilespmem:s17+$0x20];
	v16 =	vmul.f32 $9.990000000e+02, v16;
	[tilespmem:s14+$0xA] =	vst v9;
	v9 =	vadd.f32 v13, v0  }
0x5b: {  	v13 =	vmul.f32 $9.990000000e+02, v15;
	v15 =	vld [tilespmem:s17+$0x40];
	[tilespmem:s14+$0x2A] =	vst v8  }
0x5c: {  	v8 =	vld [tilespmem:s17+$0xFFFFFF80];
	v14 =	vmul.f32 $9.990000000e+02, v14;
	v16 =	vtrunc.f32 v16;
	[tilespmem:s14+$0x4A] =	vst v9;
	s14 =	smov.u32 s15  }
0x5d: {  	v9 =	vld [tilespmem:s17+$0xFFFFFF8A];
	v10 =	vmul.f32 $9.990000000e+02, v10;
	v16 =	vcvt.f32.s32 v16  }
0x5e: {  	v13 =	vtrunc.f32 v13;
	v11 =	vmul.f32 $9.990000000e+02, v11;
	v17 =	vld [tilespmem:s17+$0x6A]  }
0x5f: {  	v14 =	vtrunc.f32 v14;
	v18 =	vld [tilespmem:s17+$0xFFFFFFAA];
	v12 =	vmul.f32 $9.990000000e+02, v12  }
0x60: {  	v10 =	vtrunc.f32 v10;
	v19 =	vld [tilespmem:s17+$0xFFFFFFCA];
	v15 =	vmul.f32 $9.990000000e+02, v15  }
0x61: {  	v11 =	vtrunc.f32 v11;
	v8 =	vmul.f32 $9.990000000e+02, v8;
	v20 =	vld [tilespmem:s17+$0xFFFFFFEA]  }
0x62: {  	v12 =	vtrunc.f32 v12;
	v21 =	vld [tilespmem:s17+$0xA];
	v15 =	vtrunc.f32 v15  }
0x63: {  	v8 =	vtrunc.f32 v8;
	v17 =	vmul.f32 $9.990000000e+02, v17;
	v16 =	vld.idx.msk [tilespmem:v16+s8+$0x0], $0xffff  }
0x64: {  	v13 =	vcvt.f32.s32 v13;
	v8 =	vcvt.f32.s32 v8;
	v22 =	vld [tilespmem:s17+$0x2A]  }
0x65: {  	v14 =	vcvt.f32.s32 v14;
	v23 =	vld [tilespmem:s17+$0x4A];
	v17 =	vtrunc.f32 v17  }
0x66: {  	v10 =	vcvt.f32.s32 v10;
	v17 =	vcvt.f32.s32 v17;
	v4 =	vld.idx.msk [tilespmem:v4+s8+$0x0], $0xffff  }
0x67: {  	v11 =	vcvt.f32.s32 v11;
	v12 =	vcvt.f32.s32 v12;
	v7 =	vld.idx.msk [tilespmem:v7+s8+$0x0], $0xffff  }
0x68: {  	v9 =	vmul.f32 $9.990000000e+02, v9;
	v15 =	vcvt.f32.s32 v15;
	v6 =	vld.idx.msk [tilespmem:v6+s8+$0x0], $0xffff  }
0x69: {  	v18 =	vmul.f32 $9.990000000e+02, v18;
	v19 =	vmul.f32 $9.990000000e+02, v19;
	v16 =	vadd.f32 v16, v0;
	v5 =	vld.idx.msk [tilespmem:v5+s8+$0x0], $0xffff  }
0x6a: {  	s15 =	sadd.s32 $0x100, s15;
	v24 =	vld.idx.msk [tilespmem:v8+s8+$0x0], $0xffff;
	v8 =	vmul.f32 $9.990000000e+02, v20;
	v20 =	vmul.f32 $9.990000000e+02, v21  }
0x6b: {  	v21 =	vmul.f32 $9.990000000e+02, v22;
	v22 =	vmul.f32 $9.990000000e+02, v23;
	v13 =	vld.idx.msk [tilespmem:v13+s8+$0x0], $0xffff;
	[tilespmem:s15+$0x60] =	vst v16  }
0x6c: {  	v9 =	vtrunc.f32 v9;
	v16 =	vtrunc.f32 v18;
	v4 =	vadd.f32 v4, v0;
	v17 =	vld.idx.msk [tilespmem:v17+s8+$0x0], $0xffff  }
0x6d: {  	v18 =	vtrunc.f32 v19;
	v19 =	vtrunc.f32 v8;
	v7 =	vadd.f32 v7, v0;
	v14 =	vld.idx.msk [tilespmem:v14+s8+$0x0], $0xffff  }
0x6e: {  	v23 =	vld.idx.msk [tilespmem:v10+s8+$0x0], $0xffff;
	v10 =	vtrunc.f32 v20;
	v20 =	vtrunc.f32 v21;
	[tilespmem:s14+$0xFFFFFF8A] =	vst v4;
	v21 =	vadd.f32 v6, v0  }
0x6f: {  	v4 =	vcvt.f32.s32 v9;
	v8 =	vld.idx.msk [tilespmem:v11+s8+$0x0], $0xffff;
	v11 =	vtrunc.f32 v22;
	[tilespmem:s14+$0xFFFFFFAA] =	vst v7;
	v22 =	vadd.f32 v5, v0  }
.Ltmp0:
0x70: {  	v6 =	vcvt.f32.s32 v18;
	v24 =	vadd.f32 v24, v0;
	v7 =	vcvt.f32.s32 v16;
	v9 =	vld.idx.msk [tilespmem:v12+s8+$0x0], $0xffff;
	[tilespmem:s14+$0xFFFFFFCA] =	vst v21;
	(pc) =	sbr.rel @p0 .LBB2_2-.Ltmp0, $4  }
0x71: {  	v5 =	vcvt.f32.s32 v19;
	v12 =	vadd.f32 v13, v0;
	v13 =	vcvt.f32.s32 v10;
	v10 =	vld.idx.msk [tilespmem:v15+s8+$0x0], $0xffff;
	[tilespmem:s14+$0xFFFFFFEA] =	vst v22  }
0x72: {  	v16 =	vcvt.f32.s32 v20;
	v18 =	vcvt.f32.s32 v11;
	v17 =	vadd.f32 v17, v0;
	[tilespmem:s15+$0xFFFFFF80] =	vst v24;
	v11 =	vld.idx.msk [tilespmem:v2+s8+$0x0], $0xffff  }
0x73: {  	v15 =	vadd.f32 v14, v0;
	v2 =	vmov v13;
	[tilespmem:s15+$0xFFFFFFA0] =	vst v12;
	v12 =	vld.idx.msk [tilespmem:v3+s8+$0x0], $0xffff  }
0x74: {  	s17 =	sadd.s32 $0x100, s17;
	v14 =	vadd.f32 v23, v0;
	v3 =	vmov v16;
	[tilespmem:s15+$0x6A] =	vst v17;
	v13 =	vld.idx.msk [tilespmem:v1+s8+$0x0], $0xffff;
	v1 =	vmov v18  }
0x75: {  	_ =	sdelay $0x2  }
0x76: {  	[tilespmem:s15+$0xFFFFFFC0] =	vst v15;
	v8 =	vadd.f32 v8, v0  }
0x77: {  	v9 =	vadd.f32 v9, v0;
	v4 =	vld.idx.msk [tilespmem:v4+s8+$0x0], $0xffff;
	[tilespmem:s15+$0xFFFFFFE0] =	vst v14  }
0x78: {  	v7 =	vld.idx.msk [tilespmem:v7+s8+$0x0], $0xffff;
	v58 =	vadd.f32 v10, v0;
	[tilespmem:s15+$0x0] =	vst v8  }
0x79: {  	v6 =	vld.idx.msk [tilespmem:v6+s8+$0x0], $0xffff;
	[tilespmem:s15+$0x20] =	vst v9;
	v59 =	vadd.f32 v11, v0  }
0x7a: {  	v5 =	vld.idx.msk [tilespmem:v5+s8+$0x0], $0xffff;
	[tilespmem:s15+$0x40] =	vst v58;
	v60 =	vadd.f32 v12, v0  }
0x7b: {  	v2 =	vld.idx.msk [tilespmem:v2+s8+$0x0], $0xffff;
	[tilespmem:s14+$0xA] =	vst v59;
	v61 =	vadd.f32 v13, v0  }
0x7c: {  	v3 =	vld.idx.msk [tilespmem:v3+s8+$0x0], $0xffff;
	[tilespmem:s14+$0x2A] =	vst v60;
	v4 =	vadd.f32 v4, v0  }
0x7d: {  	v1 =	vld.idx.msk [tilespmem:v1+s8+$0x0], $0xffff;
	v7 =	vadd.f32 v7, v0;
	[tilespmem:s14+$0x4A] =	vst v61  }
0x7e: {  	v62 =	vadd.f32 v6, v0;
	[tilespmem:s15+$0xFFFFFF8A] =	vst v4  }
0x7f: {  	[tilespmem:s15+$0xFFFFFFAA] =	vst v7;
	v5 =	vadd.f32 v5, v0  }
0x80: {  	[tilespmem:s15+$0xFFFFFFCA] =	vst v62;
	v2 =	vadd.f32 v2, v0  }
0x81: {  	v3 =	vadd.f32 v3, v0;
	[tilespmem:s15+$0xFFFFFFEA] =	vst v5  }
0x82: {  	s13 =	sadd.s32 $0x1, s13;
	v63 =	vadd.f32 v1, v0;
	[tilespmem:s15+$0xA] =	vst v2  }
0x83: {  	p0 =	sne.s32 s13, s7;
	[tilespmem:s15+$0x2A] =	vst v3  }
.Ltmp1:
0x84: {  	[tilespmem:s15+$0x4A] =	vst v63;
	(pc) =	sbr.rel @p0 .LBB2_1-.Ltmp1, $4  }
0x85: {  	[hbm4b:s6+s3] =	stream.linear.scatter [tilespmem:s11], [sflag:$0x2], $0x1000, $0x38;
	[tilespmem:$0x23F8] =	vst v63  }
0x86: {  	_ =	swait.ge [sflag:s12], $0x1000  }
0x87: {  	[sflag:s12] =	ssyncset.done $0x0  }
0x88: {  	[sflag:s12] =	ssyncadd.s32 $0xFFFFF000  }
0x89: {  	_ =	sfence.sel $0x180000  }
0x8a: {  	[bflag:$0x0] =	sbarrier.arrive $0xFFFF  }
0x8b: {  	p0 =	sne.s32 s2, $0x0;
	_ =	strace $0x90000047  }
0x8c: {  	s0 =	sadd.s32 @!p0 $0x100000, s0;
	[bflag:$0x2] =	sbarrier.arrive $0xFFFF  }
0x8d: {  	[sflag:s0] =	ssyncadd.tile.s32 @!p0 $0x1;
	_ =	shalt  }
.Lfunc_end2:
_tile_overlayer_lowered:
.L_overlay_start_2:
0x8e: {  	(tag) =	ssettag $0x2  }
0x8f: {  	s0 =	rddreg [dreg:$0x0];
	s2 =	stileid.u32  }
0x90: {  	s1 =	rddreg [dreg:$0x1];
	p0 =	sne.s32 s2, $0x0  }
0x91: {  	s3 =	rddreg [dreg:$0x2];
	[bflag:$0x3] =	sbarrier.arrive $0xFFFF;
	s2 =	simm.s32 @!p0 $0x1C02  }
0x92: {  	[timem:s3], [sflag:s2] =	dma.local @!p0 [hbm:s0], s1  }
0x93: {  	s0 =	simm.s32 @!p0 $0x2  }
0x94: {  	_ =	swait.ge @!p0 [sflag:s0], s1  }
0x95: {  	s1 =	ssub.s32 @!p0 $0x0, s1;
	[sflag:s0] =	ssyncset.done @!p0 $0x0  }
0x96: {  	[sflag:s0] =	ssyncadd.s32 @!p0 s1  }
0x97: {  	[bflag:$0x3] =	sbarrier.arrive $0xFFFF  }
0x98: {  	_ =	shalt  }

</sc_bundles>
